<compile_context>
chip_gen: v7x
topology: tpu7x:2x2x1
jax: 0.10.2.dev20260603
libtpu: 0.0.44.dev20260713+nightly
codegen_flags: <defaults>
</compile_context>

<pallas_src>
import functools

import jax
import jax.numpy as jnp
from jax import lax
from jax.experimental import pallas as pl
from jax.experimental.pallas import tpu as pltpu
from jax.experimental.pallas import tpu_sc as plsc

_IGNORE = -100
_B, _S, _C = 16, 2048, 2048
_BS = 2048
_NSUB = 32
_TOK = (_B * _S) // _NSUB
_HALF = _S // 2


_LOG2E = 1.4426950408889634
_LN2 = 0.6931471805599453


def _stream_body(logits_ref, labels_ref, preds_ref, perb_ref):
    x = logits_ref[0]
    lab = labels_ref[0]
    mask = lab != _IGNORE
    lab_safe = jnp.where(mask, lab, 0)
    m = jnp.max(x, axis=1, keepdims=True)
    iota = lax.broadcasted_iota(jnp.int32, x.shape, 1)
    amax = jnp.min(jnp.where(x == m, iota, _C), axis=1, keepdims=True)
    d = m * (-_LOG2E)
    se = jnp.sum(jnp.exp2(x * _LOG2E + d), axis=1, keepdims=True)
    lse = m + jnp.log(se)
    ll = jnp.sum(jnp.where(iota == lab_safe, x, 0.0), axis=1, keepdims=True)
    preds_ref[0] = amax
    maskf = mask.astype(jnp.float32)
    tl = jnp.where(mask, lse - ll, 0.0)
    corrf = (mask & (amax == lab_safe)).astype(jnp.float32)
    perb_ref[0, 0, 0] = jnp.sum(maskf)
    perb_ref[0, 0, 1] = jnp.sum(corrf)
    perb_ref[0, 0, 2] = jnp.sum(tl)


def _stream_pass(logits, labels3):
    grid = (_B,)
    return pl.pallas_call(
        _stream_body,
        grid=grid,
        compiler_params=pltpu.CompilerParams(
            vmem_limit_bytes=120 * 1024 * 1024,
        ),
        in_specs=[
            pl.BlockSpec((1, _BS, _C), lambda b: (b, 0, 0)),
            pl.BlockSpec((1, _BS, 1), lambda b: (b, 0, 0)),
        ],
        out_specs=[
            pl.BlockSpec((1, _BS, 1), lambda b: (b, 0, 0)),
            pl.BlockSpec((1, 1, 4), lambda b: (b, 0, 0), memory_space=pltpu.SMEM),
        ],
        out_shape=[
            jax.ShapeDtypeStruct((_B, _S, 1), jnp.int32),
            jax.ShapeDtypeStruct((_B, 1, 4), jnp.float32),
        ],
    )(logits, labels3)


def _hist_body(lab_hbm, prd_hbm, out_hbm, labv, prdv, tpv, fpv, fnv):
    wid = lax.axis_index("s") * 2 + lax.axis_index("c")
    base = wid * _TOK
    pltpu.sync_copy(lab_hbm.at[pl.ds(base, _TOK)], labv)
    pltpu.sync_copy(prd_hbm.at[pl.ds(base, _TOK)], prdv)

    zeros = jnp.zeros((16,), jnp.float32)

    def zbody(j, carry):
        tpv[pl.ds(j * 16, 16)] = zeros
        fpv[pl.ds(j * 16, 16)] = zeros
        fnv[pl.ds(j * 16, 16)] = zeros
        return carry

    lax.fori_loop(0, _C // 16, zbody, 0)

    def body(i, carry):
        l16 = labv[pl.ds(i * 16, 16)]
        p16 = prdv[pl.ds(i * 16, 16)]
        mask = l16 != _IGNORE
        ls = jnp.where(mask, l16, 0)
        wm = jnp.where(mask, 1.0, 0.0).astype(jnp.float32)
        corr = mask & (p16 == l16)
        wc = jnp.where(corr, 1.0, 0.0).astype(jnp.float32)
        ww = wm - wc
        plsc.addupdate_scatter(tpv, [ls], wc)
        plsc.addupdate_scatter(fnv, [ls], ww)
        plsc.addupdate_scatter(fpv, [p16], ww)
        return carry

    lax.fori_loop(0, _TOK // 16, body, 0)

    obase = wid * 3 * _C
    pltpu.sync_copy(tpv, out_hbm.at[pl.ds(obase, _C)])
    pltpu.sync_copy(fpv, out_hbm.at[pl.ds(obase + _C, _C)])
    pltpu.sync_copy(fnv, out_hbm.at[pl.ds(obase + 2 * _C, _C)])


@functools.cache
def _hist_pass():
    return pl.kernel(
        _hist_body,
        out_type=jax.ShapeDtypeStruct((_NSUB * 3 * _C,), jnp.float32),
        mesh=plsc.VectorSubcoreMesh(
            core_axis_name="c", subcore_axis_name="s", num_cores=2, num_subcores=16
        ),
        compiler_params=pltpu.CompilerParams(needs_layout_passes=False),
        scratch_types=[
            pltpu.VMEM((_TOK,), jnp.int32),
            pltpu.VMEM((_TOK,), jnp.int32),
            pltpu.VMEM((_C,), jnp.float32),
            pltpu.VMEM((_C,), jnp.float32),
            pltpu.VMEM((_C,), jnp.float32),
        ],
    )


def _final_body(perb_ref, hist_ref, qh_ref, hal_ref, st_ref, out_ref):
    perb = perb_ref[...].reshape(_B, 4)
    lc = perb[:, 0:1]
    nc = perb[:, 1:2]
    tls = perb[:, 2:3]
    seqc = nc == lc
    seqcf = seqc.astype(jnp.float32)
    valid = (hal_ref[...] != 0) & (lc > 0.0)
    validf = valid.astype(jnp.float32)
    div = jnp.maximum(lc, 1.0)
    acc = validf * (nc / div)
    lm_loss = jnp.sum(tls / div)

    hist = hist_ref[...]
    hsum = hist[:, 0] + hist[:, 1]
    tp = hsum[:, 0]
    fp = hsum[:, 1]
    fn = hsum[:, 2]
    denom_p = tp + fp
    precision = jnp.where(denom_p > 0, tp / jnp.maximum(denom_p, 1e-9), 0.0)
    denom_r = tp + fn
    recall = jnp.where(denom_r > 0, tp / jnp.maximum(denom_r, 1e-9), 0.0)
    denom_f = precision + recall
    f1c = jnp.where(
        denom_f > 0, 2.0 * precision * recall / jnp.maximum(denom_f, 1e-9), 0.0
    )
    sm = ((tp + fp + fn) > 0).astype(jnp.float32)
    supp = jnp.maximum(jnp.sum(sm, axis=1, keepdims=True), 1.0)
    f1seq = validf * (jnp.sum(f1c * sm, axis=1, keepdims=True) / supp)

    x = qh_ref[...]
    q_halt_loss = jnp.sum(
        jnp.maximum(x, 0.0) - x * seqcf + jnp.log(1.0 + jnp.exp(-jnp.abs(x)))
    )
    qacc = jnp.sum(validf * ((x >= 0.0) == seqc).astype(jnp.float32))

    out_ref[0] = lm_loss + 0.5 * q_halt_loss
    out_ref[1] = lm_loss
    out_ref[2] = q_halt_loss
    out_ref[3] = jnp.sum(validf)
    out_ref[4] = jnp.sum(acc)
    out_ref[5] = jnp.sum(acc * acc)
    out_ref[6] = jnp.sum(f1seq)
    out_ref[7] = jnp.sum(validf * seqcf)
    out_ref[8] = qacc
    out_ref[9] = jnp.sum(validf * st_ref[...])


def _final_pass(perb, hists, qh, halted_i, steps_f):
    return pl.pallas_call(
        _final_body,
        in_specs=[pl.BlockSpec(memory_space=pltpu.VMEM)] * 5,
        out_specs=pl.BlockSpec(memory_space=pltpu.SMEM),
        out_shape=jax.ShapeDtypeStruct((16,), jnp.float32),
    )(perb, hists, qh, halted_i, steps_f)


def kernel(logits, labels, q_halt_logits, halted, steps):
    labels_flat = labels.reshape(-1)
    preds3, perb = _stream_pass(logits, labels.reshape(_B, _S, 1))
    preds = preds3.reshape(_B, _S)
    hists = _hist_pass()(labels_flat, preds.reshape(-1))
    hists = hists.reshape(_B, 2, 3, _C)
    out = _final_pass(
        perb,
        hists,
        q_halt_logits.reshape(_B, 1),
        halted.reshape(_B, 1).astype(jnp.int32),
        steps.reshape(_B, 1).astype(jnp.float32),
    )
    total_loss = out[0]
    lm_loss = out[1]
    q_halt_loss = out[2]
    count = out[3].astype(jnp.int32)
    accuracy = out[4]
    accuracy_sq = out[5]
    f1 = out[6]
    exact_accuracy = out[7].astype(jnp.int32)
    q_halt_accuracy = out[8].astype(jnp.int32)
    steps_sum = out[9].astype(jnp.int32)
    return (
        total_loss,
        lm_loss,
        q_halt_loss,
        preds,
        count,
        accuracy,
        accuracy_sq,
        f1,
        exact_accuracy,
        q_halt_accuracy,
        steps_sum,
    )

# --- scband reference (transcript-rebuilt; emitter-appended) ---
"""Pipeline reference for scband-actloss-head-17377437680522 (READ-ONLY COPY).

The authoritative reference and input builder live on the scoring server;
editing this copy changes nothing except your own understanding.
"""

import jax, jax.numpy as jnp
import numpy as np

IGNORE_LABEL_ID = -100


def setup_inputs(seed: int = 0) -> dict:
    key = jax.random.key(seed)
    k1, k2, k3, k4, k5 = jax.random.split(key, 5)
    B, S, C = 16, 2048, 2048
    logits = jax.random.normal(k1, (B, S, C), dtype=jnp.float32)
    labels = jax.random.randint(k2, (B, S), 0, C)
    # sprinkle ~2% ignore tokens like real LM training data
    ign = jax.random.uniform(k3, (B, S)) < 0.02
    labels = jnp.where(ign, IGNORE_LABEL_ID, labels)
    q_halt_logits = jax.random.normal(k4, (B,), dtype=jnp.float32)
    halted = jnp.ones((B,), dtype=bool)
    steps = jax.random.randint(k5, (B,), 1, 16).astype(jnp.int32)
    return {"logits": logits, "labels": labels, "q_halt_logits": q_halt_logits, "halted": halted, "steps": steps}


def reference(logits, labels, q_halt_logits, halted, steps):
    B, S, C = logits.shape
    preds = jnp.argmax(logits, axis=-1)
    mask = labels != IGNORE_LABEL_ID
    loss_counts = mask.sum(-1)
    loss_divisor = jnp.clip(loss_counts, 1, None).astype(jnp.float32)[:, None]
    is_correct = mask & (preds == labels)
    seq_is_correct = is_correct.sum(-1) == loss_counts
    valid_metrics = halted & (loss_counts > 0)
    accuracy_per_seq = jnp.where(valid_metrics, (is_correct.astype(jnp.float32) / loss_divisor).sum(-1), 0.0)

    # per-sequence tp/fp/fn histograms via flat weighted bincount (scatter-add)
    valid_token = (mask & valid_metrics[:, None]).astype(jnp.float32)
    batch_ids = jnp.broadcast_to(jnp.arange(B)[:, None], (B, S))
    labels_safe = jnp.where(mask, labels, 0)
    corr = is_correct.astype(jnp.float32)
    w_corr = valid_token * corr
    w_wrong = valid_token * (1.0 - corr)

    def bincount_by_batch(class_idx, w):
        flat = (batch_ids * C + class_idx).reshape(-1)
        return jnp.zeros((B * C,), jnp.float32).at[flat].add(w.reshape(-1)).reshape(B, C)

    tp = bincount_by_batch(labels_safe, w_corr)
    fp = bincount_by_batch(preds, w_wrong)
    fn = bincount_by_batch(labels_safe, w_wrong)

    denom_p = tp + fp
    precision = jnp.where(denom_p > 0, tp / jnp.maximum(denom_p, 1e-9), 0.0)
    denom_r = tp + fn
    recall = jnp.where(denom_r > 0, tp / jnp.maximum(denom_r, 1e-9), 0.0)
    denom_f = precision + recall
    f1_per_class = jnp.where(denom_f > 0, 2.0 * precision * recall / jnp.maximum(denom_f, 1e-9), 0.0)
    class_support = (tp + fp + fn) > 0
    support = jnp.clip(class_support.sum(-1), 1, None).astype(jnp.float32)
    f1_per_seq = jnp.where(valid_metrics, (f1_per_class * class_support.astype(jnp.float32)).sum(-1) / support, 0.0)

    # lm loss: softmax cross entropy with ignore_index, per-seq normalized
    logp = jax.nn.log_softmax(logits, axis=-1)
    tok_loss = -jnp.take_along_axis(logp, labels_safe[..., None], axis=-1)[..., 0]
    tok_loss = jnp.where(mask, tok_loss, 0.0)
    lm_loss = (tok_loss / loss_divisor).sum()

    # q_halt BCE-with-logits (sum reduction)
    x = q_halt_logits
    y = seq_is_correct.astype(jnp.float32)
    q_halt_loss = (jnp.maximum(x, 0.0) - x * y + jnp.log1p(jnp.exp(-jnp.abs(x)))).sum()

    total_loss = lm_loss + 0.5 * q_halt_loss

    count = valid_metrics.sum()
    accuracy = accuracy_per_seq.sum()
    accuracy_sq = jnp.square(accuracy_per_seq).sum()
    f1 = jnp.where(valid_metrics, f1_per_seq, 0.0).sum()
    exact_accuracy = (valid_metrics & seq_is_correct).sum()
    q_halt_accuracy = (valid_metrics & ((x >= 0) == seq_is_correct)).sum()
    steps_sum = jnp.where(valid_metrics, steps, 0).sum()

    return (total_loss, lm_loss, q_halt_loss, preds, count, accuracy, accuracy_sq, f1, exact_accuracy, q_halt_accuracy, steps_sum)

if __name__ == "__main__":
    import jax
    _d = setup_inputs()
    print(jax.jit(kernel)(*tuple(_d.values())))

</pallas_src>

<mosaic_0001>
#map = affine_map<(d0, d1) -> (0)>
module attributes {stable_mosaic.version = 14 : i64} {
  func.func @_hist_body(%arg0: i32, %arg1: i32, %arg2: memref<32768xi32, #tpu.memory_space<hbm>>, %arg3: memref<32768xi32, #tpu.memory_space<hbm>>, %arg4: memref<196608xf32, #tpu.memory_space<hbm>>, %arg5: memref<1024xi32, #tpu.memory_space<vmem>>, %arg6: memref<1024xi32, #tpu.memory_space<vmem>>, %arg7: memref<2048xf32, #tpu.memory_space<vmem>>, %arg8: memref<2048xf32, #tpu.memory_space<vmem>>, %arg9: memref<2048xf32, #tpu.memory_space<vmem>>) attributes {dimension_semantics = [#tpu.dimension_semantics<core_parallel>, #tpu.dimension_semantics<subcore_parallel>], iteration_bounds = array<i64: 2, 16>, scalar_prefetch = 0 : i64, scratch_operands = 5 : i64, tpu.core_type = #tpu.core_type<sc_vector_subcore>, window_params = [{transform_indices = #map}, {transform_indices = #map}, {transform_indices = #map}]} {
    %mul3A = arith.constant 2 : i32
    %mul3A_0 = arith.muli %arg1, %mul3A : i32
    %add3A = arith.addi %mul3A_0, %arg0 : i32
    %mul3A_1 = arith.constant 1024 : i32
    %mul3A_2 = arith.muli %add3A, %mul3A_1 : i32
    "tpu.region"() ({
      %run_scoped3A = tpu.sem_alloc : memref<!tpu.dma_semaphore, #tpu.memory_space<semaphore_mem>>
      %dma_start3A = tpu.memref_slice %arg2[%mul3A_2] : memref<32768xi32, #tpu.memory_space<hbm>> -> memref<1024xi32, #tpu.memory_space<hbm>>
      %dma_start3A_23 = tpu.memref_slice %arg2[%mul3A_2] : memref<32768xi32, #tpu.memory_space<hbm>> -> memref<1024xi32, #tpu.memory_space<hbm>>
      tpu.enqueue_dma source(%dma_start3A_23 : memref<1024xi32, #tpu.memory_space<hbm>>) target(%arg5 : memref<1024xi32, #tpu.memory_space<vmem>>) target_semaphore(%run_scoped3A : memref<!tpu.dma_semaphore, #tpu.memory_space<semaphore_mem>>)
      %dma_wait3A = tpu.memref_slice %arg2[%mul3A_2] : memref<32768xi32, #tpu.memory_space<hbm>> -> memref<1024xi32, #tpu.memory_space<hbm>>
      %dma_wait3A_24 = tpu.memref_slice %arg2[%mul3A_2] : memref<32768xi32, #tpu.memory_space<hbm>> -> memref<1024xi32, #tpu.memory_space<hbm>>
      tpu.wait_dma2 semaphore(%run_scoped3A : memref<!tpu.dma_semaphore, #tpu.memory_space<semaphore_mem>>) src(%dma_wait3A_24 : memref<1024xi32, #tpu.memory_space<hbm>>) dst(%arg5 : memref<1024xi32, #tpu.memory_space<vmem>>)
      tpu.yield
    }) : () -> ()
    "tpu.region"() ({
      %run_scoped3A = tpu.sem_alloc : memref<!tpu.dma_semaphore, #tpu.memory_space<semaphore_mem>>
      %dma_start3A = tpu.memref_slice %arg3[%mul3A_2] : memref<32768xi32, #tpu.memory_space<hbm>> -> memref<1024xi32, #tpu.memory_space<hbm>>
      %dma_start3A_23 = tpu.memref_slice %arg3[%mul3A_2] : memref<32768xi32, #tpu.memory_space<hbm>> -> memref<1024xi32, #tpu.memory_space<hbm>>
      tpu.enqueue_dma source(%dma_start3A_23 : memref<1024xi32, #tpu.memory_space<hbm>>) target(%arg6 : memref<1024xi32, #tpu.memory_space<vmem>>) target_semaphore(%run_scoped3A : memref<!tpu.dma_semaphore, #tpu.memory_space<semaphore_mem>>)
      %dma_wait3A = tpu.memref_slice %arg3[%mul3A_2] : memref<32768xi32, #tpu.memory_space<hbm>> -> memref<1024xi32, #tpu.memory_space<hbm>>
      %dma_wait3A_24 = tpu.memref_slice %arg3[%mul3A_2] : memref<32768xi32, #tpu.memory_space<hbm>> -> memref<1024xi32, #tpu.memory_space<hbm>>
      tpu.wait_dma2 semaphore(%run_scoped3A : memref<!tpu.dma_semaphore, #tpu.memory_space<semaphore_mem>>) src(%dma_wait3A_24 : memref<1024xi32, #tpu.memory_space<hbm>>) dst(%arg6 : memref<1024xi32, #tpu.memory_space<vmem>>)
      tpu.yield
    }) : () -> ()
    %broadcast_in_dim3A = arith.constant 0.000000e+00 : f32
    %broadcast_in_dim3A_3 = vector.broadcast %broadcast_in_dim3A : f32 to vector<16xf32>
    %scan3A = arith.constant 0 : i32
    %scan3A_4 = arith.constant 0 : i32
    %scan3A_5 = arith.constant 128 : i32
    %scan3A_6 = arith.addi %scan3A_4, %scan3A_5 : i32
    %scan3A_7 = arith.constant 1 : i32
    scf.for %scan3A_23 = %scan3A_4 to %scan3A_6 step %scan3A_7  : i32 {
      %mul3A_24 = arith.constant 16 : i32
      %mul3A_25 = arith.muli %scan3A_23, %mul3A_24 : i32
      %swap3A = arith.index_cast %mul3A_25 : i32 to index
      %swap3A_26 = tpu.vector_load %arg7[%swap3A] {strides = array<i32>} : memref<2048xf32, #tpu.memory_space<vmem>>, vector<16xf32>,
      tpu.vector_store %arg7[%swap3A], %broadcast_in_dim3A_3 {strides = array<i32>} : memref<2048xf32, #tpu.memory_space<vmem>>, vector<16xf32>,
      %mul3A_27 = arith.constant 16 : i32
      %mul3A_28 = arith.muli %scan3A_23, %mul3A_27 : i32
      %swap3A_29 = arith.index_cast %mul3A_28 : i32 to index
      %swap3A_30 = tpu.vector_load %arg8[%swap3A_29] {strides = array<i32>} : memref<2048xf32, #tpu.memory_space<vmem>>, vector<16xf32>,
      tpu.vector_store %arg8[%swap3A_29], %broadcast_in_dim3A_3 {strides = array<i32>} : memref<2048xf32, #tpu.memory_space<vmem>>, vector<16xf32>,
      %mul3A_31 = arith.constant 16 : i32
      %mul3A_32 = arith.muli %scan3A_23, %mul3A_31 : i32
      %swap3A_33 = arith.index_cast %mul3A_32 : i32 to index
      %swap3A_34 = tpu.vector_load %arg9[%swap3A_33] {strides = array<i32>} : memref<2048xf32, #tpu.memory_space<vmem>>, vector<16xf32>,
      tpu.vector_store %arg9[%swap3A_33], %broadcast_in_dim3A_3 {strides = array<i32>} : memref<2048xf32, #tpu.memory_space<vmem>>, vector<16xf32>,
    }
    %scan3A_8 = arith.constant 128 : i32
    %scan3A_9 = arith.constant 0 : i32
    %scan3A_10 = arith.constant 0 : i32
    %scan3A_11 = arith.constant 64 : i32
    %scan3A_12 = arith.addi %scan3A_10, %scan3A_11 : i32
    %scan3A_13 = arith.constant 1 : i32
    scf.for %scan3A_23 = %scan3A_10 to %scan3A_12 step %scan3A_13  : i32 {
      %mul3A_24 = arith.constant 16 : i32
      %mul3A_25 = arith.muli %scan3A_23, %mul3A_24 : i32
      %get3A = arith.index_cast %mul3A_25 : i32 to index
      %get3A_26 = tpu.vector_load %arg5[%get3A] {strides = array<i32>} : memref<1024xi32, #tpu.memory_space<vmem>>, vector<16xi32>,
      %mul3A_27 = arith.constant 16 : i32
      %mul3A_28 = arith.muli %scan3A_23, %mul3A_27 : i32
      %get3A_29 = arith.index_cast %mul3A_28 : i32 to index
      %get3A_30 = tpu.vector_load %arg6[%get3A_29] {strides = array<i32>} : memref<1024xi32, #tpu.memory_space<vmem>>, vector<16xi32>,
      %ne3A = arith.constant -100 : i32
      %ne3A_31 = vector.broadcast %ne3A : i32 to vector<16xi32>
      %ne3A_32 = arith.cmpi ne, %get3A_26, %ne3A_31 : vector<16xi32>
      %jit3A = arith.constant 0 : i32
      %broadcast_in_dim3A_33 = vector.broadcast %jit3A : i32 to vector<16xi32>
      %select_n3A = arith.select %ne3A_32, %get3A_26, %broadcast_in_dim3A_33 : vector<16xi1>, vector<16xi32>
      %jit3A_34 = arith.constant 1.000000e+00 : f32
      %jit3A_35 = arith.constant 0.000000e+00 : f32
      %broadcast_in_dim3A_36 = vector.broadcast %jit3A_34 : f32 to vector<16xf32>
      %broadcast_in_dim3A_37 = vector.broadcast %jit3A_35 : f32 to vector<16xf32>
      %select_n3A_38 = arith.select %ne3A_32, %broadcast_in_dim3A_36, %broadcast_in_dim3A_37 : vector<16xi1>, vector<16xf32>
      %eq3A = arith.cmpi eq, %get3A_30, %get3A_26 : vector<16xi32>
      %and3A = arith.andi %ne3A_32, %eq3A : vector<16xi1>
      %jit3A_39 = arith.constant 1.000000e+00 : f32
      %jit3A_40 = arith.constant 0.000000e+00 : f32
      %broadcast_in_dim3A_41 = vector.broadcast %jit3A_39 : f32 to vector<16xf32>
      %broadcast_in_dim3A_42 = vector.broadcast %jit3A_40 : f32 to vector<16xf32>
      %select_n3A_43 = arith.select %and3A, %broadcast_in_dim3A_41, %broadcast_in_dim3A_42 : vector<16xi1>, vector<16xf32>
      %sub3A = arith.subf %select_n3A_38, %select_n3A_43 : vector<16xf32>
      tpu.vector_store_idx %arg7[%select_n3A], %select_n3A_43 {add = true} : memref<2048xf32, #tpu.memory_space<vmem>>[vector<16xi32>], vector<16xf32>,
      tpu.vector_store_idx %arg9[%select_n3A], %sub3A {add = true} : memref<2048xf32, #tpu.memory_space<vmem>>[vector<16xi32>], vector<16xf32>,
      tpu.vector_store_idx %arg8[%get3A_30], %sub3A {add = true} : memref<2048xf32, #tpu.memory_space<vmem>>[vector<16xi32>], vector<16xf32>,
    }
    %scan3A_14 = arith.constant 64 : i32
    %mul3A_15 = arith.constant 3 : i32
    %mul3A_16 = arith.muli %add3A, %mul3A_15 : i32
    %mul3A_17 = arith.constant 2048 : i32
    %mul3A_18 = arith.muli %mul3A_16, %mul3A_17 : i32
    "tpu.region"() ({
      %run_scoped3A = tpu.sem_alloc : memref<!tpu.dma_semaphore, #tpu.memory_space<semaphore_mem>>
      %dma_start3A = tpu.memref_slice %arg4[%mul3A_18] : memref<196608xf32, #tpu.memory_space<hbm>> -> memref<2048xf32, #tpu.memory_space<hbm>>
      %dma_start3A_23 = tpu.memref_slice %arg4[%mul3A_18] : memref<196608xf32, #tpu.memory_space<hbm>> -> memref<2048xf32, #tpu.memory_space<hbm>>
      tpu.enqueue_dma source(%arg7 : memref<2048xf32, #tpu.memory_space<vmem>>) target(%dma_start3A_23 : memref<2048xf32, #tpu.memory_space<hbm>>) target_semaphore(%run_scoped3A : memref<!tpu.dma_semaphore, #tpu.memory_space<semaphore_mem>>)
      %dma_wait3A = tpu.memref_slice %arg4[%mul3A_18] : memref<196608xf32, #tpu.memory_space<hbm>> -> memref<2048xf32, #tpu.memory_space<hbm>>
      %dma_wait3A_24 = tpu.memref_slice %arg4[%mul3A_18] : memref<196608xf32, #tpu.memory_space<hbm>> -> memref<2048xf32, #tpu.memory_space<hbm>>
      tpu.wait_dma2 semaphore(%run_scoped3A : memref<!tpu.dma_semaphore, #tpu.memory_space<semaphore_mem>>) src(%arg7 : memref<2048xf32, #tpu.memory_space<vmem>>) dst(%dma_wait3A_24 : memref<2048xf32, #tpu.memory_space<hbm>>)
      tpu.yield
    }) : () -> ()
    %add3A_19 = arith.constant 2048 : i32
    %add3A_20 = arith.addi %mul3A_18, %add3A_19 : i32
    "tpu.region"() ({
      %run_scoped3A = tpu.sem_alloc : memref<!tpu.dma_semaphore, #tpu.memory_space<semaphore_mem>>
      %dma_start3A = tpu.memref_slice %arg4[%add3A_20] : memref<196608xf32, #tpu.memory_space<hbm>> -> memref<2048xf32, #tpu.memory_space<hbm>>
      %dma_start3A_23 = tpu.memref_slice %arg4[%add3A_20] : memref<196608xf32, #tpu.memory_space<hbm>> -> memref<2048xf32, #tpu.memory_space<hbm>>
      tpu.enqueue_dma source(%arg8 : memref<2048xf32, #tpu.memory_space<vmem>>) target(%dma_start3A_23 : memref<2048xf32, #tpu.memory_space<hbm>>) target_semaphore(%run_scoped3A : memref<!tpu.dma_semaphore, #tpu.memory_space<semaphore_mem>>)
      %dma_wait3A = tpu.memref_slice %arg4[%add3A_20] : memref<196608xf32, #tpu.memory_space<hbm>> -> memref<2048xf32, #tpu.memory_space<hbm>>
      %dma_wait3A_24 = tpu.memref_slice %arg4[%add3A_20] : memref<196608xf32, #tpu.memory_space<hbm>> -> memref<2048xf32, #tpu.memory_space<hbm>>
      tpu.wait_dma2 semaphore(%run_scoped3A : memref<!tpu.dma_semaphore, #tpu.memory_space<semaphore_mem>>) src(%arg8 : memref<2048xf32, #tpu.memory_space<vmem>>) dst(%dma_wait3A_24 : memref<2048xf32, #tpu.memory_space<hbm>>)
      tpu.yield
    }) : () -> ()
    %add3A_21 = arith.constant 4096 : i32
    %add3A_22 = arith.addi %mul3A_18, %add3A_21 : i32
    "tpu.region"() ({
      %run_scoped3A = tpu.sem_alloc : memref<!tpu.dma_semaphore, #tpu.memory_space<semaphore_mem>>
      %dma_start3A = tpu.memref_slice %arg4[%add3A_22] : memref<196608xf32, #tpu.memory_space<hbm>> -> memref<2048xf32, #tpu.memory_space<hbm>>
      %dma_start3A_23 = tpu.memref_slice %arg4[%add3A_22] : memref<196608xf32, #tpu.memory_space<hbm>> -> memref<2048xf32, #tpu.memory_space<hbm>>
      tpu.enqueue_dma source(%arg9 : memref<2048xf32, #tpu.memory_space<vmem>>) target(%dma_start3A_23 : memref<2048xf32, #tpu.memory_space<hbm>>) target_semaphore(%run_scoped3A : memref<!tpu.dma_semaphore, #tpu.memory_space<semaphore_mem>>)
      %dma_wait3A = tpu.memref_slice %arg4[%add3A_22] : memref<196608xf32, #tpu.memory_space<hbm>> -> memref<2048xf32, #tpu.memory_space<hbm>>
      %dma_wait3A_24 = tpu.memref_slice %arg4[%add3A_22] : memref<196608xf32, #tpu.memory_space<hbm>> -> memref<2048xf32, #tpu.memory_space<hbm>>
      tpu.wait_dma2 semaphore(%run_scoped3A : memref<!tpu.dma_semaphore, #tpu.memory_space<semaphore_mem>>) src(%arg9 : memref<2048xf32, #tpu.memory_space<vmem>>) dst(%dma_wait3A_24 : memref<2048xf32, #tpu.memory_space<hbm>>)
      tpu.yield
    }) : () -> ()
    return
  }
}

module attributes {stable_mosaic.version = 14 : i64} {
  func.func @_stream_body(%arg0: i32, %arg1: memref<1x2048x2048xf32, #tpu.memory_space<vmem>>, %arg2: memref<1x2048x1xi32, #tpu.memory_space<vmem>>, %arg3: memref<1x2048x1xi32, #tpu.memory_space<vmem>>, %arg4: memref<1x1x4xf32, #tpu.memory_space<smem>>) attributes {dimension_semantics = [#tpu.dimension_semantics<arbitrary>], iteration_bounds = array<i64: 16>, scalar_prefetch = 0 : i64, scratch_operands = 0 : i64, tpu.core_type = #tpu.core_type<tc>, window_params = [{transform_indices = @transform_0, window_bounds = array<i64: 1, 2048, 2048>}, {transform_indices = @transform_1, window_bounds = array<i64: 1, 2048, 1>}, {transform_indices = @transform_2, window_bounds = array<i64: 1, 2048, 1>}, {transform_indices = @transform_3, window_bounds = array<i64: 1, 1, 4>}]} {
    %get3A = arith.constant 0 : index
    %get3A_0 = arith.constant 0 : index
    %get3A_1 = arith.constant 0 : index
    %get3A_2 = vector.load %arg1[%get3A, %get3A_0, %get3A_1] : memref<1x2048x2048xf32, #tpu.memory_space<vmem>>, vector<1x2048x2048xf32>
    %get3A_3 = vector.shape_cast %get3A_2 : vector<1x2048x2048xf32> to vector<2048x2048xf32>
    %get3A_4 = arith.constant 0 : index
    %get3A_5 = arith.constant 0 : index
    %get3A_6 = arith.constant 0 : index
    %get3A_7 = vector.load %arg2[%get3A_4, %get3A_5, %get3A_6] : memref<1x2048x1xi32, #tpu.memory_space<vmem>>, vector<1x2048x1xi32>
    %get3A_8 = vector.shape_cast %get3A_7 : vector<1x2048x1xi32> to vector<2048x1xi32>
    %ne3A = arith.constant -100 : i32
    %ne3A_9 = vector.broadcast %ne3A : i32 to vector<2048x1xi32>
    %ne3A_10 = arith.cmpi ne, %get3A_8, %ne3A_9 : vector<2048x1xi32>
    %jit3A = arith.constant 0 : i32
    %broadcast_in_dim3A = vector.broadcast %jit3A : i32 to vector<2048x1xi32>
    %select_n3A = arith.select %ne3A_10, %get3A_8, %broadcast_in_dim3A : vector<2048x1xi1>, vector<2048x1xi32>
    %reduce_max3A = arith.constant dense<0xFF800000> : vector<2048xf32>
    %reduce_max3A_11 = vector.multi_reduction <maximumf>, %get3A_3, %reduce_max3A [1] : vector<2048x2048xf32> to vector<2048xf32>
    %broadcast_in_dim3A_12 = vector.shape_cast %reduce_max3A_11 : vector<2048xf32> to vector<2048x1xf32>
    %iota3A = tpu.iota {dimensions = array<i32: 1>} : vector<2048x2048xi32>
    %eq3A = vector.broadcast %broadcast_in_dim3A_12 : vector<2048x1xf32> to vector<2048x2048xf32>
    %eq3A_13 = arith.cmpf oeq, %get3A_3, %eq3A : vector<2048x2048xf32>
    %jit3A_14 = arith.constant 2048 : i32
    %broadcast_in_dim3A_15 = vector.broadcast %jit3A_14 : i32 to vector<2048x2048xi32>
    %select_n3A_16 = arith.select %eq3A_13, %iota3A, %broadcast_in_dim3A_15 : vector<2048x2048xi1>, vector<2048x2048xi32>
    %reduce_min3A = arith.constant dense<2147483647> : vector<2048xi32>
    %reduce_min3A_17 = vector.multi_reduction <minsi>, %select_n3A_16, %reduce_min3A [1] : vector<2048x2048xi32> to vector<2048xi32>
    %broadcast_in_dim3A_18 = vector.shape_cast %reduce_min3A_17 : vector<2048xi32> to vector<2048x1xi32>
    %mul3A = arith.constant -1.44269502 : f32
    %mul3A_19 = vector.broadcast %mul3A : f32 to vector<2048x1xf32>
    %mul3A_20 = arith.mulf %broadcast_in_dim3A_12, %mul3A_19 : vector<2048x1xf32>
    %mul3A_21 = arith.constant 1.44269502 : f32
    %mul3A_22 = vector.broadcast %mul3A_21 : f32 to vector<2048x2048xf32>
    %mul3A_23 = arith.mulf %get3A_3, %mul3A_22 : vector<2048x2048xf32>
    %add3A = vector.broadcast %mul3A_20 : vector<2048x1xf32> to vector<2048x2048xf32>
    %add3A_24 = arith.addf %mul3A_23, %add3A : vector<2048x2048xf32>
    %exp23A = math.exp2 %add3A_24 : vector<2048x2048xf32>
    %reduce_sum3A = arith.constant dense<0.000000e+00> : vector<2048xf32>
    %reduce_sum3A_25 = vector.multi_reduction <add>, %exp23A, %reduce_sum3A [1] : vector<2048x2048xf32> to vector<2048xf32>
    %broadcast_in_dim3A_26 = vector.shape_cast %reduce_sum3A_25 : vector<2048xf32> to vector<2048x1xf32>
    %log3A = math.log %broadcast_in_dim3A_26 : vector<2048x1xf32>
    %add3A_27 = arith.addf %broadcast_in_dim3A_12, %log3A : vector<2048x1xf32>
    %eq3A_28 = vector.broadcast %select_n3A : vector<2048x1xi32> to vector<2048x2048xi32>
    %eq3A_29 = arith.cmpi eq, %iota3A, %eq3A_28 : vector<2048x2048xi32>
    %jit3A_30 = arith.constant 0.000000e+00 : f32
    %broadcast_in_dim3A_31 = vector.broadcast %jit3A_30 : f32 to vector<2048x2048xf32>
    %select_n3A_32 = arith.select %eq3A_29, %get3A_3, %broadcast_in_dim3A_31 : vector<2048x2048xi1>, vector<2048x2048xf32>
    %reduce_sum3A_33 = arith.constant dense<0.000000e+00> : vector<2048xf32>
    %reduce_sum3A_34 = vector.multi_reduction <add>, %select_n3A_32, %reduce_sum3A_33 [1] : vector<2048x2048xf32> to vector<2048xf32>
    %broadcast_in_dim3A_35 = vector.shape_cast %reduce_sum3A_34 : vector<2048xf32> to vector<2048x1xf32>
    %swap3A = arith.constant 0 : index
    %swap3A_36 = arith.constant 0 : index
    %swap3A_37 = arith.constant 0 : index
    %swap3A_38 = vector.load %arg3[%swap3A, %swap3A_36, %swap3A_37] : memref<1x2048x1xi32, #tpu.memory_space<vmem>>, vector<1x2048x1xi32>
    %swap3A_39 = vector.shape_cast %swap3A_38 : vector<1x2048x1xi32> to vector<2048x1xi32>
    %swap3A_40 = vector.shape_cast %broadcast_in_dim3A_18 : vector<2048x1xi32> to vector<1x2048x1xi32>
    tpu.vector_store %arg3[%swap3A, %swap3A_36, %swap3A_37], %swap3A_40 {strides = array<i32>} : memref<1x2048x1xi32, #tpu.memory_space<vmem>>, vector<1x2048x1xi32>,
    %convert_element_type3A = arith.extui %ne3A_10 : vector<2048x1xi1> to vector<2048x1xi32>
    %convert_element_type3A_41 = arith.sitofp %convert_element_type3A : vector<2048x1xi32> to vector<2048x1xf32>
    %sub3A = arith.subf %add3A_27, %broadcast_in_dim3A_35 : vector<2048x1xf32>
    %jit3A_42 = arith.constant 0.000000e+00 : f32
    %broadcast_in_dim3A_43 = vector.broadcast %jit3A_42 : f32 to vector<2048x1xf32>
    %select_n3A_44 = arith.select %ne3A_10, %sub3A, %broadcast_in_dim3A_43 : vector<2048x1xi1>, vector<2048x1xf32>
    %eq3A_45 = arith.cmpi eq, %broadcast_in_dim3A_18, %select_n3A : vector<2048x1xi32>
    %and3A = arith.andi %ne3A_10, %eq3A_45 : vector<2048x1xi1>
    %convert_element_type3A_46 = arith.extui %and3A : vector<2048x1xi1> to vector<2048x1xi32>
    %convert_element_type3A_47 = arith.sitofp %convert_element_type3A_46 : vector<2048x1xi32> to vector<2048x1xf32>
    %reduce_sum3A_48 = vector.shape_cast %convert_element_type3A_41 : vector<2048x1xf32> to vector<1x2048x1xf32>
    %reduce_sum3A_49 = arith.constant dense<0.000000e+00> : vector<1xf32>
    %reduce_sum3A_50 = vector.multi_reduction <add>, %reduce_sum3A_48, %reduce_sum3A_49 [1, 2] : vector<1x2048x1xf32> to vector<1xf32>
    %reduce_sum3A_51 = vector.shape_cast %reduce_sum3A_50 : vector<1xf32> to vector<1x1x1xf32>
    %reduce_sum3A_52 = vector.extract %reduce_sum3A_51[0, 0, 0] : f32 from vector<1x1x1xf32>
    %swap3A_53 = arith.constant 0 : index
    %swap3A_54 = arith.constant 0 : index
    %swap3A_55 = arith.constant 0 : index
    %swap3A_56 = memref.load %arg4[%swap3A_53, %swap3A_54, %swap3A_55] : memref<1x1x4xf32, #tpu.memory_space<smem>>
    memref.store %reduce_sum3A_52, %arg4[%swap3A_53, %swap3A_54, %swap3A_55] : memref<1x1x4xf32, #tpu.memory_space<smem>>
    %reduce_sum3A_57 = vector.shape_cast %convert_element_type3A_47 : vector<2048x1xf32> to vector<1x2048x1xf32>
    %reduce_sum3A_58 = arith.constant dense<0.000000e+00> : vector<1xf32>
    %reduce_sum3A_59 = vector.multi_reduction <add>, %reduce_sum3A_57, %reduce_sum3A_58 [1, 2] : vector<1x2048x1xf32> to vector<1xf32>
    %reduce_sum3A_60 = vector.shape_cast %reduce_sum3A_59 : vector<1xf32> to vector<1x1x1xf32>
    %reduce_sum3A_61 = vector.extract %reduce_sum3A_60[0, 0, 0] : f32 from vector<1x1x1xf32>
    %swap3A_62 = arith.constant 0 : index
    %swap3A_63 = arith.constant 0 : index
    %swap3A_64 = arith.constant 1 : index
    %swap3A_65 = memref.load %arg4[%swap3A_62, %swap3A_63, %swap3A_64] : memref<1x1x4xf32, #tpu.memory_space<smem>>
    memref.store %reduce_sum3A_61, %arg4[%swap3A_62, %swap3A_63, %swap3A_64] : memref<1x1x4xf32, #tpu.memory_space<smem>>
    %reduce_sum3A_66 = vector.shape_cast %select_n3A_44 : vector<2048x1xf32> to vector<1x2048x1xf32>
    %reduce_sum3A_67 = arith.constant dense<0.000000e+00> : vector<1xf32>
    %reduce_sum3A_68 = vector.multi_reduction <add>, %reduce_sum3A_66, %reduce_sum3A_67 [1, 2] : vector<1x2048x1xf32> to vector<1xf32>
    %reduce_sum3A_69 = vector.shape_cast %reduce_sum3A_68 : vector<1xf32> to vector<1x1x1xf32>
    %reduce_sum3A_70 = vector.extract %reduce_sum3A_69[0, 0, 0] : f32 from vector<1x1x1xf32>
    %swap3A_71 = arith.constant 0 : index
    %swap3A_72 = arith.constant 0 : index
    %swap3A_73 = arith.constant 2 : index
    %swap3A_74 = memref.load %arg4[%swap3A_71, %swap3A_72, %swap3A_73] : memref<1x1x4xf32, #tpu.memory_space<smem>>
    memref.store %reduce_sum3A_70, %arg4[%swap3A_71, %swap3A_72, %swap3A_73] : memref<1x1x4xf32, #tpu.memory_space<smem>>
    return
  }
  func.func @transform_0(%arg0: i32) -> (i32, i32, i32) {
    %c0_i32 = arith.constant 0 : i32
    %c0_i32_0 = arith.constant 0 : i32
    %c0_i32_1 = arith.constant 0 : i32
    return %arg0, %c0_i32, %c0_i32_0 : i32, i32, i32
  }
  func.func @transform_1(%arg0: i32) -> (i32, i32, i32) {
    %c0_i32 = arith.constant 0 : i32
    %c0_i32_0 = arith.constant 0 : i32
    %c0_i32_1 = arith.constant 0 : i32
    return %arg0, %c0_i32, %c0_i32_0 : i32, i32, i32
  }
  func.func @transform_2(%arg0: i32) -> (i32, i32, i32) {
    %c0_i32 = arith.constant 0 : i32
    %c0_i32_0 = arith.constant 0 : i32
    %c0_i32_1 = arith.constant 0 : i32
    return %arg0, %c0_i32, %c0_i32_0 : i32, i32, i32
  }
  func.func @transform_3(%arg0: i32) -> (i32, i32, i32) {
    %c0_i32 = arith.constant 0 : i32
    %c0_i32_0 = arith.constant 0 : i32
    %c0_i32_1 = arith.constant 0 : i32
    return %arg0, %c0_i32, %c0_i32_0 : i32, i32, i32
  }
}

module attributes {stable_mosaic.version = 14 : i64} {
  func.func @_final_body(%arg0: memref<16x1x4xf32, #tpu.memory_space<vmem>>, %arg1: memref<16x2x3x2048xf32, #tpu.memory_space<vmem>>, %arg2: memref<16x1xf32, #tpu.memory_space<vmem>>, %arg3: memref<16x1xi32, #tpu.memory_space<vmem>>, %arg4: memref<16x1xf32, #tpu.memory_space<vmem>>, %arg5: memref<16xf32, #tpu.memory_space<smem>>) attributes {dimension_semantics = [], scalar_prefetch = 0 : i64, scratch_operands = 0 : i64, tpu.core_type = #tpu.core_type<tc>} {
    %get3A = arith.constant 0 : index
    %get3A_0 = arith.constant 0 : index
    %get3A_1 = arith.constant 0 : index
    %get3A_2 = vector.load %arg0[%get3A, %get3A_0, %get3A_1] : memref<16x1x4xf32, #tpu.memory_space<vmem>>, vector<16x1x4xf32>
    %reshape3A = vector.shape_cast %get3A_2 : vector<16x1x4xf32> to vector<16x4xf32>
    %slice3A = vector.extract_strided_slice %reshape3A {offsets = [0, 0], sizes = [16, 1], strides = [1, 1]} : vector<16x4xf32> to vector<16x1xf32>
    %slice3A_3 = vector.extract_strided_slice %reshape3A {offsets = [0, 1], sizes = [16, 1], strides = [1, 1]} : vector<16x4xf32> to vector<16x1xf32>
    %slice3A_4 = vector.extract_strided_slice %reshape3A {offsets = [0, 2], sizes = [16, 1], strides = [1, 1]} : vector<16x4xf32> to vector<16x1xf32>
    %eq3A = arith.cmpf oeq, %slice3A_3, %slice3A : vector<16x1xf32>
    %convert_element_type3A = arith.extui %eq3A : vector<16x1xi1> to vector<16x1xi32>
    %convert_element_type3A_5 = arith.sitofp %convert_element_type3A : vector<16x1xi32> to vector<16x1xf32>
    %get3A_6 = arith.constant 0 : index
    %get3A_7 = arith.constant 0 : index
    %get3A_8 = vector.load %arg3[%get3A_6, %get3A_7] : memref<16x1xi32, #tpu.memory_space<vmem>>, vector<16x1xi32>
    %ne3A = arith.constant 0 : i32
    %ne3A_9 = vector.broadcast %ne3A : i32 to vector<16x1xi32>
    %ne3A_10 = arith.cmpi ne, %get3A_8, %ne3A_9 : vector<16x1xi32>
    %gt3A = arith.constant 0.000000e+00 : f32
    %gt3A_11 = vector.broadcast %gt3A : f32 to vector<16x1xf32>
    %gt3A_12 = arith.cmpf ogt, %slice3A, %gt3A_11 : vector<16x1xf32>
    %and3A = arith.andi %ne3A_10, %gt3A_12 : vector<16x1xi1>
    %convert_element_type3A_13 = arith.extui %and3A : vector<16x1xi1> to vector<16x1xi32>
    %convert_element_type3A_14 = arith.sitofp %convert_element_type3A_13 : vector<16x1xi32> to vector<16x1xf32>
    %max3A = arith.constant 1.000000e+00 : f32
    %max3A_15 = vector.broadcast %max3A : f32 to vector<16x1xf32>
    %max3A_16 = arith.maximumf %slice3A, %max3A_15 : vector<16x1xf32>
    %div3A = arith.divf %slice3A_3, %max3A_16 : vector<16x1xf32>
    %mul3A = arith.mulf %convert_element_type3A_14, %div3A : vector<16x1xf32>
    %div3A_17 = arith.divf %slice3A_4, %max3A_16 : vector<16x1xf32>
    %reduce_sum3A = vector.shape_cast %div3A_17 : vector<16x1xf32> to vector<1x16x1xf32>
    %reduce_sum3A_18 = arith.constant dense<0.000000e+00> : vector<1xf32>
    %reduce_sum3A_19 = vector.multi_reduction <add>, %reduce_sum3A, %reduce_sum3A_18 [1, 2] : vector<1x16x1xf32> to vector<1xf32>
    %reduce_sum3A_20 = vector.shape_cast %reduce_sum3A_19 : vector<1xf32> to vector<1x1x1xf32>
    %reduce_sum3A_21 = vector.extract %reduce_sum3A_20[0, 0, 0] : f32 from vector<1x1x1xf32>
    %get3A_22 = arith.constant 0 : index
    %get3A_23 = arith.constant 0 : index
    %get3A_24 = arith.constant 0 : index
    %get3A_25 = arith.constant 0 : index
    %get3A_26 = vector.load %arg1[%get3A_22, %get3A_23, %get3A_24, %get3A_25] : memref<16x2x3x2048xf32, #tpu.memory_space<vmem>>, vector<16x2x3x2048xf32>
    %slice3A_27 = vector.extract_strided_slice %get3A_26 {offsets = [0, 0, 0, 0], sizes = [16, 1, 3, 2048], strides = [1, 1, 1, 1]} : vector<16x2x3x2048xf32> to vector<16x1x3x2048xf32>
    %squeeze3A = vector.shape_cast %slice3A_27 : vector<16x1x3x2048xf32> to vector<16x3x2048xf32>
    %slice3A_28 = vector.extract_strided_slice %get3A_26 {offsets = [0, 1, 0, 0], sizes = [16, 1, 3, 2048], strides = [1, 1, 1, 1]} : vector<16x2x3x2048xf32> to vector<16x1x3x2048xf32>
    %squeeze3A_29 = vector.shape_cast %slice3A_28 : vector<16x1x3x2048xf32> to vector<16x3x2048xf32>
    %add3A = arith.addf %squeeze3A, %squeeze3A_29 : vector<16x3x2048xf32>
    %slice3A_30 = vector.extract_strided_slice %add3A {offsets = [0, 0, 0], sizes = [16, 1, 2048], strides = [1, 1, 1]} : vector<16x3x2048xf32> to vector<16x1x2048xf32>
    %squeeze3A_31 = vector.shape_cast %slice3A_30 : vector<16x1x2048xf32> to vector<16x2048xf32>
    %slice3A_32 = vector.extract_strided_slice %add3A {offsets = [0, 1, 0], sizes = [16, 1, 2048], strides = [1, 1, 1]} : vector<16x3x2048xf32> to vector<16x1x2048xf32>
    %squeeze3A_33 = vector.shape_cast %slice3A_32 : vector<16x1x2048xf32> to vector<16x2048xf32>
    %slice3A_34 = vector.extract_strided_slice %add3A {offsets = [0, 2, 0], sizes = [16, 1, 2048], strides = [1, 1, 1]} : vector<16x3x2048xf32> to vector<16x1x2048xf32>
    %squeeze3A_35 = vector.shape_cast %slice3A_34 : vector<16x1x2048xf32> to vector<16x2048xf32>
    %add3A_36 = arith.addf %squeeze3A_31, %squeeze3A_33 : vector<16x2048xf32>
    %gt3A_37 = arith.constant 0.000000e+00 : f32
    %gt3A_38 = vector.broadcast %gt3A_37 : f32 to vector<16x2048xf32>
    %gt3A_39 = arith.cmpf ogt, %add3A_36, %gt3A_38 : vector<16x2048xf32>
    %max3A_40 = arith.constant 9.99999971E-10 : f32
    %max3A_41 = vector.broadcast %max3A_40 : f32 to vector<16x2048xf32>
    %max3A_42 = arith.maximumf %add3A_36, %max3A_41 : vector<16x2048xf32>
    %div3A_43 = arith.divf %squeeze3A_31, %max3A_42 : vector<16x2048xf32>
    %jit3A = arith.constant 0.000000e+00 : f32
    %broadcast_in_dim3A = vector.broadcast %jit3A : f32 to vector<16x2048xf32>
    %select_n3A = arith.select %gt3A_39, %div3A_43, %broadcast_in_dim3A : vector<16x2048xi1>, vector<16x2048xf32>
    %add3A_44 = arith.addf %squeeze3A_31, %squeeze3A_35 : vector<16x2048xf32>
    %gt3A_45 = arith.constant 0.000000e+00 : f32
    %gt3A_46 = vector.broadcast %gt3A_45 : f32 to vector<16x2048xf32>
    %gt3A_47 = arith.cmpf ogt, %add3A_44, %gt3A_46 : vector<16x2048xf32>
    %max3A_48 = arith.constant 9.99999971E-10 : f32
    %max3A_49 = vector.broadcast %max3A_48 : f32 to vector<16x2048xf32>
    %max3A_50 = arith.maximumf %add3A_44, %max3A_49 : vector<16x2048xf32>
    %div3A_51 = arith.divf %squeeze3A_31, %max3A_50 : vector<16x2048xf32>
    %jit3A_52 = arith.constant 0.000000e+00 : f32
    %broadcast_in_dim3A_53 = vector.broadcast %jit3A_52 : f32 to vector<16x2048xf32>
    %select_n3A_54 = arith.select %gt3A_47, %div3A_51, %broadcast_in_dim3A_53 : vector<16x2048xi1>, vector<16x2048xf32>
    %add3A_55 = arith.addf %select_n3A, %select_n3A_54 : vector<16x2048xf32>
    %gt3A_56 = arith.constant 0.000000e+00 : f32
    %gt3A_57 = vector.broadcast %gt3A_56 : f32 to vector<16x2048xf32>
    %gt3A_58 = arith.cmpf ogt, %add3A_55, %gt3A_57 : vector<16x2048xf32>
    %mul3A_59 = arith.constant 2.000000e+00 : f32
    %mul3A_60 = vector.broadcast %mul3A_59 : f32 to vector<16x2048xf32>
    %mul3A_61 = arith.mulf %mul3A_60, %select_n3A : vector<16x2048xf32>
    %mul3A_62 = arith.mulf %mul3A_61, %select_n3A_54 : vector<16x2048xf32>
    %max3A_63 = arith.constant 9.99999971E-10 : f32
    %max3A_64 = vector.broadcast %max3A_63 : f32 to vector<16x2048xf32>
    %max3A_65 = arith.maximumf %add3A_55, %max3A_64 : vector<16x2048xf32>
    %div3A_66 = arith.divf %mul3A_62, %max3A_65 : vector<16x2048xf32>
    %jit3A_67 = arith.constant 0.000000e+00 : f32
    %broadcast_in_dim3A_68 = vector.broadcast %jit3A_67 : f32 to vector<16x2048xf32>
    %select_n3A_69 = arith.select %gt3A_58, %div3A_66, %broadcast_in_dim3A_68 : vector<16x2048xi1>, vector<16x2048xf32>
    %add3A_70 = arith.addf %squeeze3A_31, %squeeze3A_33 : vector<16x2048xf32>
    %add3A_71 = arith.addf %add3A_70, %squeeze3A_35 : vector<16x2048xf32>
    %gt3A_72 = arith.constant 0.000000e+00 : f32
    %gt3A_73 = vector.broadcast %gt3A_72 : f32 to vector<16x2048xf32>
    %gt3A_74 = arith.cmpf ogt, %add3A_71, %gt3A_73 : vector<16x2048xf32>
    %convert_element_type3A_75 = arith.extui %gt3A_74 : vector<16x2048xi1> to vector<16x2048xi32>
    %convert_element_type3A_76 = arith.sitofp %convert_element_type3A_75 : vector<16x2048xi32> to vector<16x2048xf32>
    %reduce_sum3A_77 = arith.constant dense<0.000000e+00> : vector<16xf32>
    %reduce_sum3A_78 = vector.multi_reduction <add>, %convert_element_type3A_76, %reduce_sum3A_77 [1] : vector<16x2048xf32> to vector<16xf32>
    %broadcast_in_dim3A_79 = vector.shape_cast %reduce_sum3A_78 : vector<16xf32> to vector<16x1xf32>
    %max3A_80 = arith.constant 1.000000e+00 : f32
    %max3A_81 = vector.broadcast %max3A_80 : f32 to vector<16x1xf32>
    %max3A_82 = arith.maximumf %broadcast_in_dim3A_79, %max3A_81 : vector<16x1xf32>
    %mul3A_83 = arith.mulf %select_n3A_69, %convert_element_type3A_76 : vector<16x2048xf32>
    %reduce_sum3A_84 = arith.constant dense<0.000000e+00> : vector<16xf32>
    %reduce_sum3A_85 = vector.multi_reduction <add>, %mul3A_83, %reduce_sum3A_84 [1] : vector<16x2048xf32> to vector<16xf32>
    %broadcast_in_dim3A_86 = vector.shape_cast %reduce_sum3A_85 : vector<16xf32> to vector<16x1xf32>
    %div3A_87 = arith.divf %broadcast_in_dim3A_86, %max3A_82 : vector<16x1xf32>
    %mul3A_88 = arith.mulf %convert_element_type3A_14, %div3A_87 : vector<16x1xf32>
    %get3A_89 = arith.constant 0 : index
    %get3A_90 = arith.constant 0 : index
    %get3A_91 = vector.load %arg2[%get3A_89, %get3A_90] : memref<16x1xf32, #tpu.memory_space<vmem>>, vector<16x1xf32>
    %max3A_92 = arith.constant 0.000000e+00 : f32
    %max3A_93 = vector.broadcast %max3A_92 : f32 to vector<16x1xf32>
    %max3A_94 = arith.maximumf %get3A_91, %max3A_93 : vector<16x1xf32>
    %mul3A_95 = arith.mulf %get3A_91, %convert_element_type3A_5 : vector<16x1xf32>
    %sub3A = arith.subf %max3A_94, %mul3A_95 : vector<16x1xf32>
    %abs3A = math.absf %get3A_91 : vector<16x1xf32>
    %neg3A = arith.constant 0.000000e+00 : f32
    %neg3A_96 = vector.broadcast %neg3A : f32 to vector<16x1xf32>
    %neg3A_97 = arith.subf %neg3A_96, %abs3A : vector<16x1xf32>
    %exp3A = math.exp %neg3A_97 : vector<16x1xf32>
    %add3A_98 = arith.constant 1.000000e+00 : f32
    %add3A_99 = vector.broadcast %add3A_98 : f32 to vector<16x1xf32>
    %add3A_100 = arith.addf %add3A_99, %exp3A : vector<16x1xf32>
    %log3A = math.log %add3A_100 : vector<16x1xf32>
    %add3A_101 = arith.addf %sub3A, %log3A : vector<16x1xf32>
    %reduce_sum3A_102 = vector.shape_cast %add3A_101 : vector<16x1xf32> to vector<1x16x1xf32>
    %reduce_sum3A_103 = arith.constant dense<0.000000e+00> : vector<1xf32>
    %reduce_sum3A_104 = vector.multi_reduction <add>, %reduce_sum3A_102, %reduce_sum3A_103 [1, 2] : vector<1x16x1xf32> to vector<1xf32>
    %reduce_sum3A_105 = vector.shape_cast %reduce_sum3A_104 : vector<1xf32> to vector<1x1x1xf32>
    %reduce_sum3A_106 = vector.extract %reduce_sum3A_105[0, 0, 0] : f32 from vector<1x1x1xf32>
    %ge3A = arith.constant 0.000000e+00 : f32
    %ge3A_107 = vector.broadcast %ge3A : f32 to vector<16x1xf32>
    %ge3A_108 = arith.cmpf oge, %get3A_91, %ge3A_107 : vector<16x1xf32>
    %eq3A_109 = arith.xori %ge3A_108, %eq3A : vector<16x1xi1>
    %eq3A_110 = arith.constant dense<true> : vector<16x1xi1>
    %eq3A_111 = arith.xori %eq3A_109, %eq3A_110 : vector<16x1xi1>
    %convert_element_type3A_112 = arith.extui %eq3A_111 : vector<16x1xi1> to vector<16x1xi32>
    %convert_element_type3A_113 = arith.sitofp %convert_element_type3A_112 : vector<16x1xi32> to vector<16x1xf32>
    %mul3A_114 = arith.mulf %convert_element_type3A_14, %convert_element_type3A_113 : vector<16x1xf32>
    %reduce_sum3A_115 = vector.shape_cast %mul3A_114 : vector<16x1xf32> to vector<1x16x1xf32>
    %reduce_sum3A_116 = arith.constant dense<0.000000e+00> : vector<1xf32>
    %reduce_sum3A_117 = vector.multi_reduction <add>, %reduce_sum3A_115, %reduce_sum3A_116 [1, 2] : vector<1x16x1xf32> to vector<1xf32>
    %reduce_sum3A_118 = vector.shape_cast %reduce_sum3A_117 : vector<1xf32> to vector<1x1x1xf32>
    %reduce_sum3A_119 = vector.extract %reduce_sum3A_118[0, 0, 0] : f32 from vector<1x1x1xf32>
    %mul3A_120 = arith.constant 5.000000e-01 : f32
    %mul3A_121 = arith.mulf %mul3A_120, %reduce_sum3A_106 : f32
    %add3A_122 = arith.addf %reduce_sum3A_21, %mul3A_121 : f32
    %swap3A = arith.constant 0 : index
    %swap3A_123 = memref.load %arg5[%swap3A] : memref<16xf32, #tpu.memory_space<smem>>
    memref.store %add3A_122, %arg5[%swap3A] : memref<16xf32, #tpu.memory_space<smem>>
    %swap3A_124 = arith.constant 1 : index
    %swap3A_125 = memref.load %arg5[%swap3A_124] : memref<16xf32, #tpu.memory_space<smem>>
    memref.store %reduce_sum3A_21, %arg5[%swap3A_124] : memref<16xf32, #tpu.memory_space<smem>>
    %swap3A_126 = arith.constant 2 : index
    %swap3A_127 = memref.load %arg5[%swap3A_126] : memref<16xf32, #tpu.memory_space<smem>>
    memref.store %reduce_sum3A_106, %arg5[%swap3A_126] : memref<16xf32, #tpu.memory_space<smem>>
    %reduce_sum3A_128 = vector.shape_cast %convert_element_type3A_14 : vector<16x1xf32> to vector<1x16x1xf32>
    %reduce_sum3A_129 = arith.constant dense<0.000000e+00> : vector<1xf32>
    %reduce_sum3A_130 = vector.multi_reduction <add>, %reduce_sum3A_128, %reduce_sum3A_129 [1, 2] : vector<1x16x1xf32> to vector<1xf32>
    %reduce_sum3A_131 = vector.shape_cast %reduce_sum3A_130 : vector<1xf32> to vector<1x1x1xf32>
    %reduce_sum3A_132 = vector.extract %reduce_sum3A_131[0, 0, 0] : f32 from vector<1x1x1xf32>
    %swap3A_133 = arith.constant 3 : index
    %swap3A_134 = memref.load %arg5[%swap3A_133] : memref<16xf32, #tpu.memory_space<smem>>
    memref.store %reduce_sum3A_132, %arg5[%swap3A_133] : memref<16xf32, #tpu.memory_space<smem>>
    %reduce_sum3A_135 = vector.shape_cast %mul3A : vector<16x1xf32> to vector<1x16x1xf32>
    %reduce_sum3A_136 = arith.constant dense<0.000000e+00> : vector<1xf32>
    %reduce_sum3A_137 = vector.multi_reduction <add>, %reduce_sum3A_135, %reduce_sum3A_136 [1, 2] : vector<1x16x1xf32> to vector<1xf32>
    %reduce_sum3A_138 = vector.shape_cast %reduce_sum3A_137 : vector<1xf32> to vector<1x1x1xf32>
    %reduce_sum3A_139 = vector.extract %reduce_sum3A_138[0, 0, 0] : f32 from vector<1x1x1xf32>
    %swap3A_140 = arith.constant 4 : index
    %swap3A_141 = memref.load %arg5[%swap3A_140] : memref<16xf32, #tpu.memory_space<smem>>
    memref.store %reduce_sum3A_139, %arg5[%swap3A_140] : memref<16xf32, #tpu.memory_space<smem>>
    %mul3A_142 = arith.mulf %mul3A, %mul3A : vector<16x1xf32>
    %reduce_sum3A_143 = vector.shape_cast %mul3A_142 : vector<16x1xf32> to vector<1x16x1xf32>
    %reduce_sum3A_144 = arith.constant dense<0.000000e+00> : vector<1xf32>
    %reduce_sum3A_145 = vector.multi_reduction <add>, %reduce_sum3A_143, %reduce_sum3A_144 [1, 2] : vector<1x16x1xf32> to vector<1xf32>
    %reduce_sum3A_146 = vector.shape_cast %reduce_sum3A_145 : vector<1xf32> to vector<1x1x1xf32>
    %reduce_sum3A_147 = vector.extract %reduce_sum3A_146[0, 0, 0] : f32 from vector<1x1x1xf32>
    %swap3A_148 = arith.constant 5 : index
    %swap3A_149 = memref.load %arg5[%swap3A_148] : memref<16xf32, #tpu.memory_space<smem>>
    memref.store %reduce_sum3A_147, %arg5[%swap3A_148] : memref<16xf32, #tpu.memory_space<smem>>
    %reduce_sum3A_150 = vector.shape_cast %mul3A_88 : vector<16x1xf32> to vector<1x16x1xf32>
    %reduce_sum3A_151 = arith.constant dense<0.000000e+00> : vector<1xf32>
    %reduce_sum3A_152 = vector.multi_reduction <add>, %reduce_sum3A_150, %reduce_sum3A_151 [1, 2] : vector<1x16x1xf32> to vector<1xf32>
    %reduce_sum3A_153 = vector.shape_cast %reduce_sum3A_152 : vector<1xf32> to vector<1x1x1xf32>
    %reduce_sum3A_154 = vector.extract %reduce_sum3A_153[0, 0, 0] : f32 from vector<1x1x1xf32>
    %swap3A_155 = arith.constant 6 : index
    %swap3A_156 = memref.load %arg5[%swap3A_155] : memref<16xf32, #tpu.memory_space<smem>>
    memref.store %reduce_sum3A_154, %arg5[%swap3A_155] : memref<16xf32, #tpu.memory_space<smem>>
    %mul3A_157 = arith.mulf %convert_element_type3A_14, %convert_element_type3A_5 : vector<16x1xf32>
    %reduce_sum3A_158 = vector.shape_cast %mul3A_157 : vector<16x1xf32> to vector<1x16x1xf32>
    %reduce_sum3A_159 = arith.constant dense<0.000000e+00> : vector<1xf32>
    %reduce_sum3A_160 = vector.multi_reduction <add>, %reduce_sum3A_158, %reduce_sum3A_159 [1, 2] : vector<1x16x1xf32> to vector<1xf32>
    %reduce_sum3A_161 = vector.shape_cast %reduce_sum3A_160 : vector<1xf32> to vector<1x1x1xf32>
    %reduce_sum3A_162 = vector.extract %reduce_sum3A_161[0, 0, 0] : f32 from vector<1x1x1xf32>
    %swap3A_163 = arith.constant 7 : index
    %swap3A_164 = memref.load %arg5[%swap3A_163] : memref<16xf32, #tpu.memory_space<smem>>
    memref.store %reduce_sum3A_162, %arg5[%swap3A_163] : memref<16xf32, #tpu.memory_space<smem>>
    %swap3A_165 = arith.constant 8 : index
    %swap3A_166 = memref.load %arg5[%swap3A_165] : memref<16xf32, #tpu.memory_space<smem>>
    memref.store %reduce_sum3A_119, %arg5[%swap3A_165] : memref<16xf32, #tpu.memory_space<smem>>
    %get3A_167 = arith.constant 0 : index
    %get3A_168 = arith.constant 0 : index
    %get3A_169 = vector.load %arg4[%get3A_167, %get3A_168] : memref<16x1xf32, #tpu.memory_space<vmem>>, vector<16x1xf32>
    %mul3A_170 = arith.mulf %convert_element_type3A_14, %get3A_169 : vector<16x1xf32>
    %reduce_sum3A_171 = vector.shape_cast %mul3A_170 : vector<16x1xf32> to vector<1x16x1xf32>
    %reduce_sum3A_172 = arith.constant dense<0.000000e+00> : vector<1xf32>
    %reduce_sum3A_173 = vector.multi_reduction <add>, %reduce_sum3A_171, %reduce_sum3A_172 [1, 2] : vector<1x16x1xf32> to vector<1xf32>
    %reduce_sum3A_174 = vector.shape_cast %reduce_sum3A_173 : vector<1xf32> to vector<1x1x1xf32>
    %reduce_sum3A_175 = vector.extract %reduce_sum3A_174[0, 0, 0] : f32 from vector<1x1x1xf32>
    %swap3A_176 = arith.constant 9 : index
    %swap3A_177 = memref.load %arg5[%swap3A_176] : memref<16xf32, #tpu.memory_space<smem>>
    memref.store %reduce_sum3A_175, %arg5[%swap3A_176] : memref<16xf32, #tpu.memory_space<smem>>
    return
  }
}

</mosaic_0001>

<sc_bundles>
// kernel: kernel.5.cloned.1.call-start
scs
__scs_entry_jumppad:
0x0: {  	(pc) =	sbr.rel $0x88, $3  }
0x1: {  	(tag) =	ssettag $0x0;
	lr =	simm.s32 $0x1  }
0x2: {  	[smem:$0x3F9C] =	sst lr;
	_ =	strace $0xD0000000  }
0x3: {  	_ = 	snop  }
0x4: {  	_ = 	snop  }
0x5: {  	_ = 	snop  }
0x6: {  	_ = 	snop  }
0x7: {  	_ = 	snop  }
__scs_overlays_trampoline_lowered:
0x8: {  	[smem:$0x3FAB] =	sst s0  }
0x9: {  	[smem:$0x3FAC] =	sst s1  }
0xa: {  	[smem:$0x3FAD] =	sst s2  }
0xb: {  	[smem:$0x3FAE] =	sst s3  }
0xc: {  	[smem:$0x3FAF] =	sst s4  }
0xd: {  	[smem:$0x3FB0] =	sst s5  }
0xe: {  	[smem:$0x3FB1] =	sst s6  }
0xf: {  	[smem:$0x3FB2] =	sst s7  }
0x10: {  	[smem:$0x3FB3] =	sst s8  }
0x11: {  	[smem:$0x3FB4] =	sst s9;
	s0 =	simm.s32 @!p0 $0x0  }
0x12: {  	s1 =	sld [smem:$0x3F9A];
	s0 =	simm.s32 @p0 $0x1  }
0x13: {  	[smem:$0x3FB5] =	sst s0;
	s0 =	simm.s32 @!p1 $0x0  }
0x14: {  	s2 =	sld [smem:$0x3F99];
	s0 =	simm.s32 @p1 $0x1  }
0x15: {  	[smem:$0x3FB6] =	sst s0;
	s0 =	simm.s32 @!p2 $0x0  }
0x16: {  	s3 =	sld [smem:$0x3FDB];
	s0 =	simm.s32 @p2 $0x1  }
0x17: {  	s4 =	simm.s32 $0x1BF5;
	[smem:$0x3FB8] =	sst s0  }
0x18: {  	s0 =	sld [smem:$0x3F9B];
	_ =	swait.ge [sflag:s4], $0x0  }
0x19: {  	s7 =	sld [smem:$0x3F9C]  }
0x1a: {  	s8 =	sadd.s32 $0xFFFFE003, lr  }
0x1b: {  	s9 =	sadd.s32 $0xFFFFFEF7, lr;
	s5 =	simm.s32 $0xFFFFFFFF;
	p2 =	slt.u32 s8, $0xFFFFF086  }
0x1c: {  	p1 =	slt.u32 s9, $0xF7A;
	s5 =	simm.s32 @!p2 $0x0  }
0x1d: {  	s5 =	simm.s32 @p1 $0x1;
	p0 =	seq.s32 s7, s2  }
0x1e: {  	s7 =	smul.u32 @!p0 $0xF7A, s2;
	p2 =	seq.s32 @!p0 s5, $0x0  }
0x1f: {  	s9 =	smul.u32 $0xF7A, s1;
	s8 =	simm.s32 @!p0 $0x1BF5;
	p2 =	por !p2, p0  }
0x20: {  	[sflag:s8] =	ssyncset.s32 @!p0 $0xFFFFF086;
	s6 =	sadd.s32 @!p0 s3, s7;
	s7 =	simm.s32 @!p0 $0x108  }
0x21: {  	s3 =	sadd.s32 s3, s9;
	s6 =	sadd.s32 @!p0 $0x88, s6;
	s7 =	simm.s32 @p2 $0x1082  }
0x22: {  	[simem:s7], [sflag:s8] =	dma.local @!p0 [hbm:s6], $0xF7A  }
0x23: {  	s9 =	sor.u32 $0xD0000000, s2;
	s6 =	simm.s32 $0x108;
	_ =	swait.ge @!p0 [sflag:s8], $0x0  }
0x24: {  	s3 =	sadd.s32 $0x88, s3;
	s6 =	simm.s32 @!p1 $0x1082;
	[sflag:s4] =	ssyncset.s32 $0xFFFFF086  }
0x25: {  	[simem:s6], [sflag:s4] =	dma.local [hbm:s3], $0xF7A  }
0x26: {  	[smem:$0x3F9C] =	sst s1;
	(tag) =	ssettag s2;
	_ =	strace s9  }
0x27: {  	s1 =	sld [smem:$0x3FAC]  }
0x28: {  	s2 =	sld [smem:$0x3FAD]  }
0x29: {  	s4 =	sld [smem:$0x3FAF]  }
0x2a: {  	p0 =	seq.s32 s5, $0x0;
	s5 =	sld [smem:$0x3FB0]  }
0x2b: {  	s6 =	sld [smem:$0x3FB1]  }
0x2c: {  	s7 =	sld [smem:$0x3FB2]  }
0x2d: {  	s3 =	simm.s32 $0x108;
	s8 =	sld [smem:$0x3FB3]  }
0x2e: {  	s3 =	simm.s32 @!p0 $0x1082;
	s9 =	sld [smem:$0x3FB4]  }
0x2f: {  	lr =	sadd.s32 s0, s3;
	s0 =	sld [smem:$0x3FAB]  }
0x30: {  	s3 =	sld [smem:$0x3FAE]  }
0x31: {  	[smem:$0x3FB7] =	sst s10  }
0x32: {  	s10 =	sld [smem:$0x3FB5];
	_ =	sdelay $0x3  }
0x33: {  	p0 =	seq.s32 s10, $0x1;
	s10 =	sld [smem:$0x3FB7];
	_ =	sdelay $0x3  }
0x34: {  	[smem:$0x3FB7] =	sst s10  }
0x35: {  	s10 =	sld [smem:$0x3FB6];
	_ =	sdelay $0x3  }
0x36: {  	p1 =	seq.s32 s10, $0x1;
	s10 =	sld [smem:$0x3FB7];
	_ =	sdelay $0x3  }
0x37: {  	[smem:$0x3FB7] =	sst s10  }
0x38: {  	s10 =	sld [smem:$0x3FB8]  }
0x39: {  	_ = 	snop;
	(pc) =	sbr.ind lr, $3  }
0x3a: {  	_ = 	snop  }
0x3b: {  	_ = 	snop  }
0x3c: {  	p2 =	seq.s32 s10, $0x1;
	s10 =	sld [smem:$0x3FB7]  }
0x3d: {  	_ =	shalt  }
0x3e: {  	_ =	shalt  }
0x3f: {  	_ =	shalt  }
0x40: {  	_ =	shalt  }
0x41: {  	_ =	shalt  }
0x42: {  	_ =	shalt  }
0x43: {  	_ =	shalt  }
0x44: {  	_ =	shalt  }
0x45: {  	_ =	shalt  }
0x46: {  	_ =	shalt  }
0x47: {  	_ =	shalt  }
0x48: {  	_ =	shalt  }
0x49: {  	_ =	shalt  }
0x4a: {  	_ =	shalt  }
0x4b: {  	_ =	shalt  }
0x4c: {  	_ =	shalt  }
0x4d: {  	_ =	shalt  }
0x4e: {  	_ =	shalt  }
0x4f: {  	_ =	shalt  }
0x50: {  	_ =	shalt  }
0x51: {  	_ =	shalt  }
0x52: {  	_ =	shalt  }
0x53: {  	_ =	shalt  }
0x54: {  	_ =	shalt  }
0x55: {  	_ =	shalt  }
0x56: {  	_ =	shalt  }
0x57: {  	_ =	shalt  }
0x58: {  	_ =	shalt  }
0x59: {  	_ =	shalt  }
0x5a: {  	_ =	shalt  }
0x5b: {  	_ =	shalt  }
0x5c: {  	_ =	shalt  }
0x5d: {  	_ =	shalt  }
0x5e: {  	_ =	shalt  }
0x5f: {  	_ =	shalt  }
0x60: {  	_ =	shalt  }
0x61: {  	_ =	shalt  }
0x62: {  	_ =	shalt  }
0x63: {  	_ =	shalt  }
0x64: {  	_ =	shalt  }
0x65: {  	_ =	shalt  }
0x66: {  	_ =	shalt  }
0x67: {  	_ =	shalt  }
0x68: {  	_ =	shalt  }
0x69: {  	_ =	shalt  }
0x6a: {  	_ =	shalt  }
0x6b: {  	_ =	shalt  }
0x6c: {  	_ =	shalt  }
0x6d: {  	_ =	shalt  }
0x6e: {  	_ =	shalt  }
0x6f: {  	_ =	shalt  }
0x70: {  	_ =	shalt  }
0x71: {  	_ =	shalt  }
0x72: {  	_ =	shalt  }
0x73: {  	_ =	shalt  }
0x74: {  	_ =	shalt  }
0x75: {  	_ =	shalt  }
0x76: {  	_ =	shalt  }
0x77: {  	_ =	shalt  }
0x78: {  	_ =	shalt  }
0x79: {  	_ =	shalt  }
0x7a: {  	_ =	shalt  }
0x7b: {  	_ =	shalt  }
0x7c: {  	_ =	shalt  }
0x7d: {  	_ =	shalt  }
0x7e: {  	_ =	shalt  }
0x7f: {  	_ =	shalt  }
0x80: {  	_ =	shalt  }
0x81: {  	_ =	shalt  }
0x82: {  	_ =	shalt  }
0x83: {  	_ =	shalt  }
0x84: {  	_ =	shalt  }
0x85: {  	_ =	shalt  }
0x86: {  	_ =	shalt  }
0x87: {  	_ =	shalt  }
.Lfunc_end0:
.L_simem_size_0:
called_computation_lowered:
.L_overlay_start_0:
0x88: {  	s2 =	sld [smem:$0x3FD9]  }
0x89: {  	s3 =	sld [smem:$0x3FFE];
	_ =	sdelay $0x1  }
0x8a: {  	s1 =	srdreg.scid  }
0x8b: {  	s0 =	sand.u32 $0x1, s1  }
0x8c: {  	s16 =	sshll.u32 s0, $0xA;
	s2 =	sadd.s32 s3, s2  }
0x8d: {  	s2 =	sadd.s32 s2, s16  }
0x8e: {  	[smem:$0x3FC3] =	sst s2  }
0x8f: {  	_ = 	snop  }
0x90: {  	(tm) =	ssettm $0x1  }
0x91: {  	s17 =	sld [smem:$0x3FFB];
	_ =	sdelay $0x3  }
0x92: {  	_ =	strace s17  }
0x93: {  	s2 =	sld [smem:$0x3FFC];
	_ =	sdelay $0x3  }
0x94: {  	_ =	strace s2  }
0x95: {  	s2 =	sld [smem:$0x3FFD];
	_ =	sdelay $0x3  }
0x96: {  	_ =	strace s2  }
0x97: {  	_ =	strace $0x8FFFFFFF  }
0x98: {  	s18 =	sld [smem:$0x3FDB];
	_ =	sdelay $0x1  }
0x99: {  	s19 =	simm.s32 $_scs_section_size  }
0x9a: {  	s4 =	simm.s32 $_size__tile_overlayer_lowered;
	s5 =	simm.s32 $_tile_overlayer_lowered  }
0x9b: {  	s22 =	simm.s32 $0x1BFF;
	s21 =	sshll.u32 s5, $0x1;
	s2 =	sadd.s32 s19, s18  }
0x9c: {  	s6 =	simm.s32 $0x0;
	s20 =	sshll.u32 s4, $0x1;
	s4 =	sadd.s32 s21, s2  }
0x9d: {  	[timem:s6], [sflag:s22] =	dma.local [hbm:s4], s20  }
0x9e: {  	_ =	swait.ge [sflag:s22], s20  }
0x9f: {  	s3 =	ssub.s32 $0x0, s20;
	[sflag:s22] =	ssyncset.done $0x0  }
0xa0: {  	[sflag:s22] =	ssyncadd.s32 s3;
	_ =	sdelay $0x1  }
0xa1: {  	s23 =	simm.s32 $0x1B8B  }
0xa2: {  	_ =	swait.ge [sflag:s23], $0x1  }
0xa3: {  	[sflag:s23] =	ssyncset.done $0x0  }
0xa4: {  	s25 =	simm.s32 $0x1B8E;
	s24 =	sld [smem:$0x3FFE];
	[sflag:s23] =	ssyncadd.s32 $0xFFFFFFFF  }
0xa5: {  	s26 =	simm.s32 $execute0_lowered;
	[smem:$0x3FD2] =	sst s25  }
0xa6: {  	s4 =	sshll.u32 s26, $0x1;
	_ =	strace $0x80000046;
	[dreg:$0x1] =	wrdreg $0xFFFFFFFF  }
0xa7: {  	s28 =	simm.s32 $_size_execute0_lowered;
	s2 =	sadd.s32 s2, s4;
	[dreg:$0x0] =	wrdreg $0x0  }
0xa8: {  	s4 =	sshll.u32 s28, $0x1;
	[dreg:$0x2] =	wrdreg s2  }
0xa9: {  	[dreg:$0x3] =	wrdreg s4  }
0xaa: {  	[dreg:$0x4] =	wrdreg $0xC0  }
0xab: {  	_ =	task [dreg:s6], $0x5FFFF  }
0xac: {  	[dreg:$0x1] =	wrdreg $0xFFFFFFFF  }
0xad: {  	[dreg:$0x0] =	wrdreg $0x60  }
0xae: {  	[dreg:$0x2] =	wrdreg s24  }
0xaf: {  	[dreg:$0x3] =	wrdreg $0x9  }
0xb0: {  	_ =	task.clear_ibuf [dreg:s6], $0x4FFFF;
	_ =	strace $0x90000046  }
0xb1: {  	s29 =	simm.s32 $0x9;
	_ =	strace $0x80000048  }
0xb2: {  	_ =	swait.ge [sflag:s29], $0x1  }
0xb3: {  	[sflag:s29] =	ssyncadd.s32 $0xFFFFFFFF  }
0xb4: {  	_ =	strace $0x90000048  }
0xb5: {  	_ =	sfence  }
0xb6: {  	s30 =	sld [smem:$0x0];
	_ =	sdelay $0x2  }
0xb7: {  	s31 =	sshll.u32 s1, $0xD;
	s1 =	sshrl.u32 s1, $0x2  }
0xb8: {  	s3 =	sand.u32 $0x4000, s31;
	s1 =	sadd.s32 s1, s30  }
0xb9: {  	s0 =	sor.u32 s3, s0;
	s1 =	sshll.u32 s1, $0x11  }
0xba: {  	s0 =	sor.u32 s1, s0  }
0xbb: {  	s0 =	sadd.s32 $0x8F2B, s0  }
0xbc: {  	[sflag:s0] =	ssyncadd.remote.s32 $0x1  }
0xbd: {  	_ =	sfence.sel $0xFFFF  }
0xbe: {  	[dreg:$0x0] =	wrdreg $0xFFFFFFFF;
	(pc) =	sbr.abs _section_cstart, $3  }
0xbf: {  	[dreg:$0x1] =	wrdreg $0xFFFFFFFF  }
0xc0: {  	_ =	task.clear_ibuf [dreg:s6], $0x2FFFF;
	_ =	strace $0x9FFFFFFF  }
0xc1: {  	(tm) =	ssettm $0x7FFFFFFF  }
tec
execute0_lowered:
.L_overlay_start_1:
0x0: {  	(tag) =	ssettag $0x1  }
0x1: {  	s1 =	srdreg.scid  }
0x2: {  	s0 =	stileid.u32;
	s3 =	rddreg [dreg:$0x0]  }
0x3: {  	s2 =	simm.s32 $0x0;
	s10 =	simm.s32 $0x400;
	s11 =	simm.s32 $0x800  }
0x4: {  	s12 =	simm.s32 $0x1800;
	s4 =	sand.u32 $0x1, s1;
	s5 =	sshll.u32 s0, $0x1  }
0x5: {  	s13 =	simm.s32 $0x1000;
	s1 =	rddreg [dreg:$0x1];
	s5 =	sor.u32 s4, s5  }
0x6: {  	s14 =	simm.s32 $0x0;
	[smem:$0x7FF] =	sst s2;
	s6 =	smul.u32 $0x1800, s5  }
0x7: {  	_ =	strace $0x80000047;
	s4 =	ssub.s32 $0x2, s4;
	s5 =	sshll.u32 s5, $0x7  }
0x8: {  	s7 =	sshrl.u32 s4, $0x1;
	s5 =	sadd.s32 s5, s3;
	s6 =	sshrl.u32 s6, $0x3  }
0x9: {  	s9 =	ssub.s32 s4, s7;
	s4 =	sadd.s32 $0x1000, s5;
	s8 =	sadd.s32 s6, s3  }
0xa: {  	s3 =	sadd.s32 $0x2000, s5;
	s5 =	sadd.s32 $0x3000, s8;
	s6 =	sadd.s32 $0x3100, s8  }
0xb: {  	v0 =	vimm.f32 $0.0e+00;
	s7 =	sadd.s32 $0x3200, s8;
	s8 =	smax.u32 s9, $0x1;
	s9 =	simm.s32 $0x1  }
.LBB2_1:
0xc: {  	[tilespmem:s2], [sflag:$0x1] =	stream.linear.gather [hbm4b:s3+s2], $0x400, $0x38;
	[tilespmem:$0x2000] =	vst v63  }
0xd: {  	_ =	swait.ge [sflag:s9], $0x400  }
0xe: {  	[sflag:s9] =	ssyncset.done $0x0  }
0xf: {  	[sflag:s9] =	ssyncadd.s32 $0xFFFFFC00  }
0x10: {  	[tilespmem:s10], [sflag:$0x1] =	stream.linear.gather [hbm4b:s4+s2], $0x400, $0x38;
	[tilespmem:$0x2000] =	vst v63  }
0x11: {  	_ =	swait.ge [sflag:s9], $0x400  }
0x12: {  	[sflag:s9] =	ssyncset.done $0x0  }
0x13: {  	s15 =	simm.s32 $0x0;
	[sflag:s9] =	ssyncadd.s32 $0xFFFFFC00  }
.LBB2_2:
0x14: {  	p0 =	sne.s32 s15, $0x1FC0  }
.Ltmp0:
0x15: {  	_ = 	snop;
	(pc) =	sbr.rel @p0 .LBB2_2-.Ltmp0, $4  }
0x16: {  	s16 =	sshra.s32 s15, $0x2  }
0x17: {  	[tilespmem:s16+$0x800] =	vst v0  }
0x18: {  	[tilespmem:s16+$0x1000] =	vst v0  }
0x19: {  	s15 =	sadd.s32 $0x40, s15;
	[tilespmem:s16+$0x1800] =	vst v0  }
0x1a: {  	s15 =	simm.s32 $0x0  }
0x1b: {  	v2 =	vld [tilespmem:s15+$0x0]  }
0x1c: {  	v1 =	vld [tilespmem:s15+$0x400];
	s15 =	simm.s32 $0x40  }
.LBB2_4:
0x1d: {  	p0 =	sne.s32 s15, $0xFC0;
	_ =	sdelay $0x2  }
0x1e: {  	vm0 =	vne.s32 v2, $0xFFFFFF9C  }
0x1f: {  	v3 =	vnsel vm0, $0x0, v2  }
0x20: {  	vm1 =	veq.s32 v1, v2  }
0x21: {  	vm1 =	vmand vm0, vm1  }
0x22: {  	v2 =	vsel vm0, $0x3F800000, v0;
	v4 =	vsel vm1, $0x3F800000, v0  }
0x23: {  	v2 =	vsub.f32 v2, v4  }
.Ltmp1:
0x24: {  	[tilespmem:v3+s11+$0x0] =	vst.idx.add.f32.msk $0xffff, v4;
	(pc) =	sbr.rel @p0 .LBB2_4-.Ltmp1, $4  }
0x25: {  	[tilespmem:v3+s12+$0x0] =	vst.idx.add.f32.msk $0xffff, v2  }
0x26: {  	s16 =	sshra.s32 s15, $0x2;
	[tilespmem:v1+s13+$0x0] =	vst.idx.add.f32.msk $0xffff, v2  }
0x27: {  	v2 =	vld [tilespmem:s16+$0x0]  }
0x28: {  	s15 =	sadd.s32 $0x40, s15;
	v1 =	vld [tilespmem:s16+$0x400]  }
0x29: {  	_ =	sdelay $0x2  }
0x2a: {  	vm0 =	vne.s32 v2, $0xFFFFFF9C  }
0x2b: {  	v3 =	vnsel vm0, $0x0, v2  }
0x2c: {  	vm1 =	veq.s32 v1, v2  }
0x2d: {  	vm1 =	vmand vm0, vm1  }
0x2e: {  	v2 =	vsel vm0, $0x3F800000, v0;
	v4 =	vsel vm1, $0x3F800000, v0  }
0x2f: {  	v2 =	vsub.f32 v2, v4  }
0x30: {  	[tilespmem:v3+s11+$0x0] =	vst.idx.add.f32.msk $0xffff, v4  }
0x31: {  	[tilespmem:v3+s12+$0x0] =	vst.idx.add.f32.msk $0xffff, v2  }
0x32: {  	[tilespmem:v1+s13+$0x0] =	vst.idx.add.f32.msk $0xffff, v2  }
0x33: {  	[hbm4b:s5+s2] =	stream.linear.scatter [tilespmem:s11], [sflag:$0x1], $0x800, $0x38;
	[tilespmem:$0x2000] =	vst v63  }
0x34: {  	_ =	swait.ge [sflag:s9], $0x800  }
0x35: {  	[sflag:s9] =	ssyncset.done $0x0  }
0x36: {  	[sflag:s9] =	ssyncadd.s32 $0xFFFFF800  }
0x37: {  	[hbm4b:s6+s2] =	stream.linear.scatter [tilespmem:s13], [sflag:$0x1], $0x800, $0x38;
	[tilespmem:$0x2000] =	vst v63  }
0x38: {  	s14 =	sadd.s32 $0x1, s14;
	_ =	swait.ge [sflag:s9], $0x800  }
0x39: {  	p0 =	sne.s32 s14, s8;
	[sflag:s9] =	ssyncset.done $0x0  }
.Ltmp2:
0x3a: {  	[sflag:s9] =	ssyncadd.s32 $0xFFFFF800;
	(pc) =	sbr.rel @p0 .LBB2_1-.Ltmp2, $4  }
0x3b: {  	[hbm4b:s7+s2] =	stream.linear.scatter [tilespmem:s12], [sflag:$0x1], $0x800, $0x38;
	[tilespmem:$0x2000] =	vst v63  }
0x3c: {  	_ =	swait.ge [sflag:s9], $0x800  }
0x3d: {  	[sflag:s9] =	ssyncset.done $0x0  }
0x3e: {  	[sflag:s9] =	ssyncadd.s32 $0xFFFFF800  }
0x3f: {  	_ =	sfence.sel $0x180000  }
0x40: {  	[bflag:$0x0] =	sbarrier.arrive $0xFFFF  }
0x41: {  	p0 =	sne.s32 s0, $0x0;
	_ =	strace $0x90000047  }
0x42: {  	s0 =	sadd.s32 @!p0 $0x100000, s1;
	[bflag:$0x2] =	sbarrier.arrive $0xFFFF  }
0x43: {  	[sflag:s0] =	ssyncadd.tile.s32 @!p0 $0x1;
	_ =	shalt  }
.Lfunc_end2:
_tile_overlayer_lowered:
.L_overlay_start_2:
0x44: {  	(tag) =	ssettag $0x2  }
0x45: {  	s0 =	rddreg [dreg:$0x0];
	s2 =	stileid.u32  }
0x46: {  	s1 =	rddreg [dreg:$0x1];
	p0 =	sne.s32 s2, $0x0  }
0x47: {  	s3 =	rddreg [dreg:$0x2];
	[bflag:$0x3] =	sbarrier.arrive $0xFFFF;
	s2 =	simm.s32 @!p0 $0x1C01  }
0x48: {  	[timem:s3], [sflag:s2] =	dma.local @!p0 [hbm:s0], s1  }
0x49: {  	s0 =	simm.s32 @!p0 $0x1  }
0x4a: {  	_ =	swait.ge @!p0 [sflag:s0], s1  }
0x4b: {  	s1 =	ssub.s32 @!p0 $0x0, s1;
	[sflag:s0] =	ssyncset.done @!p0 $0x0  }
0x4c: {  	[sflag:s0] =	ssyncadd.s32 @!p0 s1  }
0x4d: {  	[bflag:$0x3] =	sbarrier.arrive $0xFFFF  }
0x4e: {  	_ =	shalt  }

</sc_bundles>
